<compile_context>
chip_gen: v7x
topology: tpu7x:2x2x1
jax: 0.10.2.dev20260603
libtpu: 0.0.44.dev20260713+nightly
codegen_flags: <defaults>
</compile_context>

<pallas_src>
import functools

import jax
import jax.numpy as jnp
from jax import lax
from jax.experimental import pallas as pl
from jax.experimental.pallas import tpu as pltpu
from jax.experimental.pallas import tpu_sc as plsc

_C = 19
_EPS = 1e-06
_HW = 512 * 512
_NW = 32
_PXW = 4 * _HW // _NW
_CB = 2048
_NCH = 1

_mesh = plsc.VectorSubcoreMesh(core_axis_name="c", subcore_axis_name="s")


@functools.partial(
    pl.kernel,
    out_type=jax.ShapeDtypeStruct((_NW, 16), jnp.float32),
    mesh=_mesh,
    scratch_types=[
        pltpu.VMEM((2, _C, _CB), jnp.float32),
        pltpu.SemaphoreType.DMA,
        pltpu.SemaphoreType.DMA,
    ],
)
def _sc_probe(x_hbm, out_hbm, buf, sem0, sem1):
    w = lax.axis_index("s") * 2 + lax.axis_index("c")
    n = w // 8
    col0 = (w % 8) * _PXW
    sems = (sem0, sem1)

    def issue(k, b):
        return pltpu.async_copy(
            x_hbm.at[n, :, pl.ds(col0 + k * _CB, _CB)], buf.at[b], sems[b])

    hs = [None, None]
    hs[0] = issue(0, 0)
    for k in range(_NCH):
        b = k & 1
        if k + 1 < _NCH:
            hs[1 - b] = issue(k + 1, 1 - b)
        hs[b].wait()
    pltpu.sync_copy(buf.at[0, 0, pl.ds(0, 16)], out_hbm.at[w])


def _dice_body(tgt_ref, x_ref, out_ref, s_acc, i_acc, f_acc):
    n = pl.program_id(0)
    c = pl.program_id(1)
    num_n = pl.num_programs(0)
    num_c = pl.num_programs(1)

    v = x_ref[0, 0]
    t = tgt_ref[0]
    eqf = (t == c).astype(jnp.float32)
    psum = jnp.sum(v)
    inter = jnp.sum(v * eqf)
    freq = jnp.sum(eqf)

    @pl.when(n == 0)
    def _init():
        s_acc[c] = psum
        i_acc[c] = inter
        f_acc[c] = freq

    @pl.when(n != 0)
    def _accum():
        s_acc[c] = s_acc[c] + psum
        i_acc[c] = i_acc[c] + inter
        f_acc[c] = f_acc[c] + freq

    @pl.when((n == num_n - 1) & (c == num_c - 1))
    def _finish():
        def tot_body(k, acc):
            return acc + f_acc[k]
        tot_f = jax.lax.fori_loop(0, _C, tot_body, 0.0)

        def loss_body(k, acc):
            fk = f_acc[k]
            ik = i_acc[k]
            uk = s_acc[k] + fk - ik
            dice = 1.0 - (2.0 * ik + _EPS) / (uk + _EPS)
            w = tot_f / (fk * _C)
            return acc + dice * w
        out_ref[0, 0] = jax.lax.fori_loop(0, _C, loss_body, 0.0)


def kernel(inputs, targets):
    N, C, H, W = inputs.shape
    x3 = inputs.reshape(N, C, H * W)
    probe = _sc_probe(x3)
    return jnp.sum(probe) * 0.0
    out = pl.pallas_call(
        _dice_body,
        grid=(N, C),
        in_specs=[
            pl.BlockSpec((1, H, W), lambda n, c: (n, 0, 0)),
            pl.BlockSpec((1, 1, H, W), lambda n, c: (n, c, 0, 0)),
        ],
        out_specs=pl.BlockSpec(memory_space=pltpu.SMEM),
        out_shape=jax.ShapeDtypeStruct((1, 1), jnp.float32),
        scratch_shapes=[
            pltpu.SMEM((C,), jnp.float32),
            pltpu.SMEM((C,), jnp.float32),
            pltpu.SMEM((C,), jnp.float32),
        ],
    )(targets, inputs)
    return out[0, 0] + jnp.sum(probe) * 0.0

# --- scband reference (transcript-rebuilt; emitter-appended) ---
"""Pipeline reference for scband-weighted-dice-loss-61392262529102 (READ-ONLY COPY).

The authoritative reference and input builder live on the scoring server;
editing this copy changes nothing except your own understanding.
"""

import jax, jax.numpy as jnp
import numpy as np

NUM_CLASSES = 19
IGNORE_INDEX = 255


def setup_inputs(seed: int = 0) -> dict:
    key = jax.random.key(seed)
    k1, k2 = jax.random.split(key)
    inputs = jax.random.normal(k1, (4, NUM_CLASSES, 512, 512), dtype=jnp.float32)
    targets = jax.random.randint(k2, (4, 512, 512), 0, NUM_CLASSES, dtype=jnp.int32)
    return {"inputs": inputs, "targets": targets}


def reference(inputs, targets):
    N, C, H, W = inputs.shape
    # transpose(1,2).transpose(2,3).view(-1, C)  == NHWC flatten
    x = jnp.transpose(inputs, (0, 2, 3, 1)).reshape(-1, C)
    t = targets.reshape(-1)
    # mask = targets != ignore_index; implement masking by zero-weighting
    valid = (t != IGNORE_INDEX)
    maskf = valid.astype(jnp.float32)
    t_safe = jnp.where(valid, t, 0)
    # frequency = bincount(targets, weights=self.weight(None), minlength=C)
    # with None weight this is plain counts of the (masked) targets
    frequency = jnp.bincount(t_safe, weights=maskf, minlength=C, length=C).astype(jnp.float32)
    total_frequency = frequency.sum()
    class_weights = total_frequency / (frequency * C)
    n = t.shape[0]
    # targets_one_hot.scatter_(1, targets.unsqueeze(1), 1)
    one_hot = jnp.zeros((n, C), dtype=jnp.float32).at[jnp.arange(n), t_safe].set(1.0)
    one_hot = one_hot * maskf[:, None]
    xm = x * maskf[:, None]
    intersection = (xm * one_hot).sum(axis=0)
    union = (xm + one_hot).sum(axis=0) - intersection
    dice_loss = 1.0 - (2.0 * intersection + 1e-06) / (union + 1e-06)
    dice_loss = dice_loss * class_weights
    return dice_loss.sum()

if __name__ == "__main__":
    import jax
    _d = setup_inputs()
    print(jax.jit(kernel)(*tuple(_d.values())))

</pallas_src>

<mosaic_0001>
#map = affine_map<(d0, d1) -> (0, 0, 0)>
#map1 = affine_map<(d0, d1) -> (0, 0)>
module attributes {stable_mosaic.version = 14 : i64} {
  func.func @_sc_probe(%arg0: i32, %arg1: i32, %arg2: memref<4x19x262144xf32, #tpu.memory_space<hbm>>, %arg3: memref<32x16xf32, #tpu.memory_space<hbm>>, %arg4: memref<2x19x2048xf32, #tpu.memory_space<vmem>>, %arg5: memref<!tpu.dma_semaphore, #tpu.memory_space<semaphore_mem>>, %arg6: memref<!tpu.dma_semaphore, #tpu.memory_space<semaphore_mem>>) attributes {dimension_semantics = [#tpu.dimension_semantics<core_parallel>, #tpu.dimension_semantics<subcore_parallel>], iteration_bounds = array<i64: 2, 16>, scalar_prefetch = 0 : i64, scratch_operands = 3 : i64, tpu.core_type = #tpu.core_type<sc_vector_subcore>, window_params = [{transform_indices = #map}, {transform_indices = #map1}]} {
    %mul3A = arith.constant 2 : i32
    %mul3A_0 = arith.muli %arg1, %mul3A : i32
    %add3A = arith.addi %mul3A_0, %arg0 : i32
    %jit3A = arith.constant 8 : i32
    %div3A = arith.divsi %add3A, %jit3A : i32
    %sign3A = arith.constant 0 : i32
    %sign3A_1 = arith.cmpi sgt, %add3A, %sign3A : i32
    %sign3A_2 = arith.extui %sign3A_1 : i1 to i32
    %sign3A_3 = arith.constant 0 : i32
    %sign3A_4 = arith.cmpi slt, %add3A, %sign3A_3 : i32
    %sign3A_5 = arith.extui %sign3A_4 : i1 to i32
    %sign3A_6 = arith.subi %sign3A_2, %sign3A_5 : i32
    %sign3A_7 = arith.constant 0 : i32
    %sign3A_8 = arith.cmpi sgt, %jit3A, %sign3A_7 : i32
    %sign3A_9 = arith.extui %sign3A_8 : i1 to i32
    %sign3A_10 = arith.constant 0 : i32
    %sign3A_11 = arith.cmpi slt, %jit3A, %sign3A_10 : i32
    %sign3A_12 = arith.extui %sign3A_11 : i1 to i32
    %sign3A_13 = arith.subi %sign3A_9, %sign3A_12 : i32
    %ne3A = arith.cmpi ne, %sign3A_6, %sign3A_13 : i32
    %rem3A = arith.remsi %add3A, %jit3A : i32
    %ne3A_14 = arith.constant 0 : i32
    %ne3A_15 = arith.cmpi ne, %rem3A, %ne3A_14 : i32
    %and3A = arith.andi %ne3A, %ne3A_15 : i1
    %sub3A = arith.constant 1 : i32
    %sub3A_16 = arith.subi %div3A, %sub3A : i32
    %select_n3A = arith.select %and3A, %sub3A_16, %div3A : i32
    %jit3A_17 = arith.constant 8 : i32
    %eq3A = arith.constant 0 : i32
    %eq3A_18 = arith.cmpi eq, %jit3A_17, %eq3A : i32
    %jit3A_19 = arith.constant 1 : i32
    %select_n3A_20 = arith.select %eq3A_18, %jit3A_19, %jit3A_17 : i32
    %rem3A_21 = arith.remsi %add3A, %select_n3A_20 : i32
    %ne3A_22 = arith.constant 0 : i32
    %ne3A_23 = arith.cmpi ne, %rem3A_21, %ne3A_22 : i32
    %lt3A = arith.constant 0 : i32
    %lt3A_24 = arith.cmpi slt, %rem3A_21, %lt3A : i32
    %lt3A_25 = arith.constant 0 : i32
    %lt3A_26 = arith.cmpi slt, %select_n3A_20, %lt3A_25 : i32
    %ne3A_27 = arith.xori %lt3A_24, %lt3A_26 : i1
    %and3A_28 = arith.andi %ne3A_27, %ne3A_23 : i1
    %add3A_29 = arith.addi %rem3A_21, %select_n3A_20 : i32
    %select_n3A_30 = arith.select %and3A_28, %add3A_29, %rem3A_21 : i32
    %mul3A_31 = arith.constant 32768 : i32
    %mul3A_32 = arith.muli %select_n3A_30, %mul3A_31 : i32
    %add3A_33 = arith.constant 0 : i32
    %add3A_34 = arith.addi %mul3A_32, %add3A_33 : i32
    %dma_start3A = arith.constant 0 : i32
    %dma_start3A_35 = arith.constant 0 : i32
    %dma_start3A_36 = arith.constant 0 : i32
    %dma_start3A_37 = tpu.memref_slice %arg4[%dma_start3A, %dma_start3A_35, %dma_start3A_36] : memref<2x19x2048xf32, #tpu.memory_space<vmem>> -> memref<1x19x2048xf32, #tpu.memory_space<vmem>>
    %dma_start3A_38 = tpu.memref_squeeze %dma_start3A_37 : memref<1x19x2048xf32, #tpu.memory_space<vmem>> -> memref<19x2048xf32, #tpu.memory_space<vmem>>
    %dma_start3A_39 = arith.constant 0 : i32
    %dma_start3A_40 = tpu.memref_slice %arg2[%select_n3A, %dma_start3A_39, %add3A_34] : memref<4x19x262144xf32, #tpu.memory_space<hbm>> -> memref<1x19x2048xf32, #tpu.memory_space<hbm>>
    %dma_start3A_41 = tpu.memref_squeeze %dma_start3A_40 : memref<1x19x2048xf32, #tpu.memory_space<hbm>> -> memref<19x2048xf32, #tpu.memory_space<hbm>>
    %dma_start3A_42 = arith.constant 0 : i32
    %dma_start3A_43 = arith.constant 0 : i32
    %dma_start3A_44 = tpu.memref_slice %arg4[%dma_start3A, %dma_start3A_42, %dma_start3A_43] : memref<2x19x2048xf32, #tpu.memory_space<vmem>> -> memref<1x19x2048xf32, #tpu.memory_space<vmem>>
    %dma_start3A_45 = tpu.memref_squeeze %dma_start3A_44 : memref<1x19x2048xf32, #tpu.memory_space<vmem>> -> memref<19x2048xf32, #tpu.memory_space<vmem>>
    %dma_start3A_46 = arith.constant 0 : i32
    %dma_start3A_47 = tpu.memref_slice %arg2[%select_n3A, %dma_start3A_46, %add3A_34] : memref<4x19x262144xf32, #tpu.memory_space<hbm>> -> memref<1x19x2048xf32, #tpu.memory_space<hbm>>
    %dma_start3A_48 = tpu.memref_squeeze %dma_start3A_47 : memref<1x19x2048xf32, #tpu.memory_space<hbm>> -> memref<19x2048xf32, #tpu.memory_space<hbm>>
    tpu.enqueue_dma source(%dma_start3A_48 : memref<19x2048xf32, #tpu.memory_space<hbm>>) target(%dma_start3A_45 : memref<19x2048xf32, #tpu.memory_space<vmem>>) target_semaphore(%arg5 : memref<!tpu.dma_semaphore, #tpu.memory_space<semaphore_mem>>)
    %dma_wait3A = arith.constant 0 : i32
    %dma_wait3A_49 = arith.constant 0 : i32
    %dma_wait3A_50 = arith.constant 0 : i32
    %dma_wait3A_51 = tpu.memref_slice %arg4[%dma_wait3A, %dma_wait3A_49, %dma_wait3A_50] : memref<2x19x2048xf32, #tpu.memory_space<vmem>> -> memref<1x19x2048xf32, #tpu.memory_space<vmem>>
    %dma_wait3A_52 = tpu.memref_squeeze %dma_wait3A_51 : memref<1x19x2048xf32, #tpu.memory_space<vmem>> -> memref<19x2048xf32, #tpu.memory_space<vmem>>
    %dma_wait3A_53 = arith.constant 0 : i32
    %dma_wait3A_54 = tpu.memref_slice %arg2[%select_n3A, %dma_wait3A_53, %add3A_34] : memref<4x19x262144xf32, #tpu.memory_space<hbm>> -> memref<1x19x2048xf32, #tpu.memory_space<hbm>>
    %dma_wait3A_55 = tpu.memref_squeeze %dma_wait3A_54 : memref<1x19x2048xf32, #tpu.memory_space<hbm>> -> memref<19x2048xf32, #tpu.memory_space<hbm>>
    %dma_wait3A_56 = arith.constant 0 : i32
    %dma_wait3A_57 = arith.constant 0 : i32
    %dma_wait3A_58 = tpu.memref_slice %arg4[%dma_wait3A, %dma_wait3A_56, %dma_wait3A_57] : memref<2x19x2048xf32, #tpu.memory_space<vmem>> -> memref<1x19x2048xf32, #tpu.memory_space<vmem>>
    %dma_wait3A_59 = tpu.memref_squeeze %dma_wait3A_58 : memref<1x19x2048xf32, #tpu.memory_space<vmem>> -> memref<19x2048xf32, #tpu.memory_space<vmem>>
    %dma_wait3A_60 = arith.constant 0 : i32
    %dma_wait3A_61 = tpu.memref_slice %arg2[%select_n3A, %dma_wait3A_60, %add3A_34] : memref<4x19x262144xf32, #tpu.memory_space<hbm>> -> memref<1x19x2048xf32, #tpu.memory_space<hbm>>
    %dma_wait3A_62 = tpu.memref_squeeze %dma_wait3A_61 : memref<1x19x2048xf32, #tpu.memory_space<hbm>> -> memref<19x2048xf32, #tpu.memory_space<hbm>>
    tpu.wait_dma2 semaphore(%arg5 : memref<!tpu.dma_semaphore, #tpu.memory_space<semaphore_mem>>) src(%dma_wait3A_62 : memref<19x2048xf32, #tpu.memory_space<hbm>>) dst(%dma_wait3A_59 : memref<19x2048xf32, #tpu.memory_space<vmem>>)
    %run_scoped3A = arith.constant 0 : i32
    %run_scoped3A_63 = arith.constant 0 : i32
    "tpu.region"() ({
      %run_scoped3A_64 = tpu.sem_alloc : memref<!tpu.dma_semaphore, #tpu.memory_space<semaphore_mem>>
      %dma_start3A_65 = arith.constant 0 : i32
      %dma_start3A_66 = tpu.memref_slice %arg4[%run_scoped3A, %run_scoped3A_63, %dma_start3A_65] : memref<2x19x2048xf32, #tpu.memory_space<vmem>> -> memref<1x1x16xf32, #tpu.memory_space<vmem>>
      %dma_start3A_67 = tpu.memref_squeeze %dma_start3A_66 : memref<1x1x16xf32, #tpu.memory_space<vmem>> -> memref<16xf32, #tpu.memory_space<vmem>>
      %dma_start3A_68 = arith.constant 0 : i32
      %dma_start3A_69 = tpu.memref_slice %arg3[%add3A, %dma_start3A_68] : memref<32x16xf32, #tpu.memory_space<hbm>> -> memref<1x16xf32, #tpu.memory_space<hbm>>
      %dma_start3A_70 = tpu.memref_squeeze %dma_start3A_69 : memref<1x16xf32, #tpu.memory_space<hbm>> -> memref<16xf32, #tpu.memory_space<hbm>>
      %dma_start3A_71 = arith.constant 0 : i32
      %dma_start3A_72 = tpu.memref_slice %arg3[%add3A, %dma_start3A_71] : memref<32x16xf32, #tpu.memory_space<hbm>> -> memref<1x16xf32, #tpu.memory_space<hbm>>
      %dma_start3A_73 = tpu.memref_squeeze %dma_start3A_72 : memref<1x16xf32, #tpu.memory_space<hbm>> -> memref<16xf32, #tpu.memory_space<hbm>>
      %dma_start3A_74 = arith.constant 0 : i32
      %dma_start3A_75 = tpu.memref_slice %arg4[%run_scoped3A, %run_scoped3A_63, %dma_start3A_74] : memref<2x19x2048xf32, #tpu.memory_space<vmem>> -> memref<1x1x16xf32, #tpu.memory_space<vmem>>
      %dma_start3A_76 = tpu.memref_squeeze %dma_start3A_75 : memref<1x1x16xf32, #tpu.memory_space<vmem>> -> memref<16xf32, #tpu.memory_space<vmem>>
      tpu.enqueue_dma source(%dma_start3A_76 : memref<16xf32, #tpu.memory_space<vmem>>) target(%dma_start3A_73 : memref<16xf32, #tpu.memory_space<hbm>>) target_semaphore(%run_scoped3A_64 : memref<!tpu.dma_semaphore, #tpu.memory_space<semaphore_mem>>)
      %dma_wait3A_77 = arith.constant 0 : i32
      %dma_wait3A_78 = tpu.memref_slice %arg4[%run_scoped3A, %run_scoped3A_63, %dma_wait3A_77] : memref<2x19x2048xf32, #tpu.memory_space<vmem>> -> memref<1x1x16xf32, #tpu.memory_space<vmem>>
      %dma_wait3A_79 = tpu.memref_squeeze %dma_wait3A_78 : memref<1x1x16xf32, #tpu.memory_space<vmem>> -> memref<16xf32, #tpu.memory_space<vmem>>
      %dma_wait3A_80 = arith.constant 0 : i32
      %dma_wait3A_81 = tpu.memref_slice %arg3[%add3A, %dma_wait3A_80] : memref<32x16xf32, #tpu.memory_space<hbm>> -> memref<1x16xf32, #tpu.memory_space<hbm>>
      %dma_wait3A_82 = tpu.memref_squeeze %dma_wait3A_81 : memref<1x16xf32, #tpu.memory_space<hbm>> -> memref<16xf32, #tpu.memory_space<hbm>>
      %dma_wait3A_83 = arith.constant 0 : i32
      %dma_wait3A_84 = tpu.memref_slice %arg3[%add3A, %dma_wait3A_83] : memref<32x16xf32, #tpu.memory_space<hbm>> -> memref<1x16xf32, #tpu.memory_space<hbm>>
      %dma_wait3A_85 = tpu.memref_squeeze %dma_wait3A_84 : memref<1x16xf32, #tpu.memory_space<hbm>> -> memref<16xf32, #tpu.memory_space<hbm>>
      %dma_wait3A_86 = arith.constant 0 : i32
      %dma_wait3A_87 = tpu.memref_slice %arg4[%run_scoped3A, %run_scoped3A_63, %dma_wait3A_86] : memref<2x19x2048xf32, #tpu.memory_space<vmem>> -> memref<1x1x16xf32, #tpu.memory_space<vmem>>
      %dma_wait3A_88 = tpu.memref_squeeze %dma_wait3A_87 : memref<1x1x16xf32, #tpu.memory_space<vmem>> -> memref<16xf32, #tpu.memory_space<vmem>>
      tpu.wait_dma2 semaphore(%run_scoped3A_64 : memref<!tpu.dma_semaphore, #tpu.memory_space<semaphore_mem>>) src(%dma_wait3A_88 : memref<16xf32, #tpu.memory_space<vmem>>) dst(%dma_wait3A_85 : memref<16xf32, #tpu.memory_space<hbm>>)
      tpu.yield
    }) : () -> ()
    return
  }
}

</mosaic_0001>

<sc_bundles>
// kernel: kernel.3.cloned.1.call-start
scs
__scs_entry_jumppad:
0x0: {  	(pc) =	sbr.rel $0x88, $3  }
0x1: {  	(tag) =	ssettag $0x0;
	lr =	simm.s32 $0x1  }
0x2: {  	[smem:$0x3FA0] =	sst lr;
	_ =	strace $0xD0000000  }
0x3: {  	_ = 	snop  }
0x4: {  	_ = 	snop  }
0x5: {  	_ = 	snop  }
0x6: {  	_ = 	snop  }
0x7: {  	_ = 	snop  }
__scs_overlays_trampoline_lowered:
0x8: {  	[smem:$0x3FAF] =	sst s0  }
0x9: {  	[smem:$0x3FB0] =	sst s1  }
0xa: {  	[smem:$0x3FB1] =	sst s2  }
0xb: {  	[smem:$0x3FB2] =	sst s3  }
0xc: {  	[smem:$0x3FB3] =	sst s4  }
0xd: {  	[smem:$0x3FB4] =	sst s5  }
0xe: {  	[smem:$0x3FB5] =	sst s6  }
0xf: {  	[smem:$0x3FB6] =	sst s7  }
0x10: {  	[smem:$0x3FB7] =	sst s8  }
0x11: {  	[smem:$0x3FB8] =	sst s9;
	s0 =	simm.s32 @!p0 $0x0  }
0x12: {  	s1 =	sld [smem:$0x3F9E];
	s0 =	simm.s32 @p0 $0x1  }
0x13: {  	[smem:$0x3FB9] =	sst s0;
	s0 =	simm.s32 @!p1 $0x0  }
0x14: {  	s2 =	sld [smem:$0x3F9D];
	s0 =	simm.s32 @p1 $0x1  }
0x15: {  	[smem:$0x3FBA] =	sst s0;
	s0 =	simm.s32 @!p2 $0x0  }
0x16: {  	s3 =	sld [smem:$0x3FDB];
	s0 =	simm.s32 @p2 $0x1  }
0x17: {  	s4 =	simm.s32 $0x1BF5;
	[smem:$0x3FBC] =	sst s0  }
0x18: {  	s0 =	sld [smem:$0x3F9F];
	_ =	swait.ge [sflag:s4], $0x0  }
0x19: {  	s7 =	sld [smem:$0x3FA0]  }
0x1a: {  	s8 =	sadd.s32 $0xFFFFE003, lr  }
0x1b: {  	s9 =	sadd.s32 $0xFFFFFEF7, lr;
	s5 =	simm.s32 $0xFFFFFFFF;
	p2 =	slt.u32 s8, $0xFFFFF086  }
0x1c: {  	p1 =	slt.u32 s9, $0xF7A;
	s5 =	simm.s32 @!p2 $0x0  }
0x1d: {  	s5 =	simm.s32 @p1 $0x1;
	p0 =	seq.s32 s7, s2  }
0x1e: {  	s7 =	smul.u32 @!p0 $0xF7A, s2;
	p2 =	seq.s32 @!p0 s5, $0x0  }
0x1f: {  	s9 =	smul.u32 $0xF7A, s1;
	s8 =	simm.s32 @!p0 $0x1BF5;
	p2 =	por !p2, p0  }
0x20: {  	[sflag:s8] =	ssyncset.s32 @!p0 $0xFFFFF086;
	s6 =	sadd.s32 @!p0 s3, s7;
	s7 =	simm.s32 @!p0 $0x108  }
0x21: {  	s3 =	sadd.s32 s3, s9;
	s6 =	sadd.s32 @!p0 $0x88, s6;
	s7 =	simm.s32 @p2 $0x1082  }
0x22: {  	[simem:s7], [sflag:s8] =	dma.local @!p0 [hbm:s6], $0xF7A  }
0x23: {  	s9 =	sor.u32 $0xD0000000, s2;
	s6 =	simm.s32 $0x108;
	_ =	swait.ge @!p0 [sflag:s8], $0x0  }
0x24: {  	s3 =	sadd.s32 $0x88, s3;
	s6 =	simm.s32 @!p1 $0x1082;
	[sflag:s4] =	ssyncset.s32 $0xFFFFF086  }
0x25: {  	[simem:s6], [sflag:s4] =	dma.local [hbm:s3], $0xF7A  }
0x26: {  	[smem:$0x3FA0] =	sst s1;
	(tag) =	ssettag s2;
	_ =	strace s9  }
0x27: {  	s1 =	sld [smem:$0x3FB0]  }
0x28: {  	s2 =	sld [smem:$0x3FB1]  }
0x29: {  	s4 =	sld [smem:$0x3FB3]  }
0x2a: {  	p0 =	seq.s32 s5, $0x0;
	s5 =	sld [smem:$0x3FB4]  }
0x2b: {  	s6 =	sld [smem:$0x3FB5]  }
0x2c: {  	s7 =	sld [smem:$0x3FB6]  }
0x2d: {  	s3 =	simm.s32 $0x108;
	s8 =	sld [smem:$0x3FB7]  }
0x2e: {  	s3 =	simm.s32 @!p0 $0x1082;
	s9 =	sld [smem:$0x3FB8]  }
0x2f: {  	lr =	sadd.s32 s0, s3;
	s0 =	sld [smem:$0x3FAF]  }
0x30: {  	s3 =	sld [smem:$0x3FB2]  }
0x31: {  	[smem:$0x3FBB] =	sst s10  }
0x32: {  	s10 =	sld [smem:$0x3FB9];
	_ =	sdelay $0x3  }
0x33: {  	p0 =	seq.s32 s10, $0x1;
	s10 =	sld [smem:$0x3FBB];
	_ =	sdelay $0x3  }
0x34: {  	[smem:$0x3FBB] =	sst s10  }
0x35: {  	s10 =	sld [smem:$0x3FBA];
	_ =	sdelay $0x3  }
0x36: {  	p1 =	seq.s32 s10, $0x1;
	s10 =	sld [smem:$0x3FBB];
	_ =	sdelay $0x3  }
0x37: {  	[smem:$0x3FBB] =	sst s10  }
0x38: {  	s10 =	sld [smem:$0x3FBC]  }
0x39: {  	_ = 	snop;
	(pc) =	sbr.ind lr, $3  }
0x3a: {  	_ = 	snop  }
0x3b: {  	_ = 	snop  }
0x3c: {  	p2 =	seq.s32 s10, $0x1;
	s10 =	sld [smem:$0x3FBB]  }
0x3d: {  	_ =	shalt  }
0x3e: {  	_ =	shalt  }
0x3f: {  	_ =	shalt  }
0x40: {  	_ =	shalt  }
0x41: {  	_ =	shalt  }
0x42: {  	_ =	shalt  }
0x43: {  	_ =	shalt  }
0x44: {  	_ =	shalt  }
0x45: {  	_ =	shalt  }
0x46: {  	_ =	shalt  }
0x47: {  	_ =	shalt  }
0x48: {  	_ =	shalt  }
0x49: {  	_ =	shalt  }
0x4a: {  	_ =	shalt  }
0x4b: {  	_ =	shalt  }
0x4c: {  	_ =	shalt  }
0x4d: {  	_ =	shalt  }
0x4e: {  	_ =	shalt  }
0x4f: {  	_ =	shalt  }
0x50: {  	_ =	shalt  }
0x51: {  	_ =	shalt  }
0x52: {  	_ =	shalt  }
0x53: {  	_ =	shalt  }
0x54: {  	_ =	shalt  }
0x55: {  	_ =	shalt  }
0x56: {  	_ =	shalt  }
0x57: {  	_ =	shalt  }
0x58: {  	_ =	shalt  }
0x59: {  	_ =	shalt  }
0x5a: {  	_ =	shalt  }
0x5b: {  	_ =	shalt  }
0x5c: {  	_ =	shalt  }
0x5d: {  	_ =	shalt  }
0x5e: {  	_ =	shalt  }
0x5f: {  	_ =	shalt  }
0x60: {  	_ =	shalt  }
0x61: {  	_ =	shalt  }
0x62: {  	_ =	shalt  }
0x63: {  	_ =	shalt  }
0x64: {  	_ =	shalt  }
0x65: {  	_ =	shalt  }
0x66: {  	_ =	shalt  }
0x67: {  	_ =	shalt  }
0x68: {  	_ =	shalt  }
0x69: {  	_ =	shalt  }
0x6a: {  	_ =	shalt  }
0x6b: {  	_ =	shalt  }
0x6c: {  	_ =	shalt  }
0x6d: {  	_ =	shalt  }
0x6e: {  	_ =	shalt  }
0x6f: {  	_ =	shalt  }
0x70: {  	_ =	shalt  }
0x71: {  	_ =	shalt  }
0x72: {  	_ =	shalt  }
0x73: {  	_ =	shalt  }
0x74: {  	_ =	shalt  }
0x75: {  	_ =	shalt  }
0x76: {  	_ =	shalt  }
0x77: {  	_ =	shalt  }
0x78: {  	_ =	shalt  }
0x79: {  	_ =	shalt  }
0x7a: {  	_ =	shalt  }
0x7b: {  	_ =	shalt  }
0x7c: {  	_ =	shalt  }
0x7d: {  	_ =	shalt  }
0x7e: {  	_ =	shalt  }
0x7f: {  	_ =	shalt  }
0x80: {  	_ =	shalt  }
0x81: {  	_ =	shalt  }
0x82: {  	_ =	shalt  }
0x83: {  	_ =	shalt  }
0x84: {  	_ =	shalt  }
0x85: {  	_ =	shalt  }
0x86: {  	_ =	shalt  }
0x87: {  	_ =	shalt  }
.Lfunc_end0:
.L_simem_size_0:
called_computation_lowered:
.L_overlay_start_0:
0x88: {  	s2 =	sld [smem:$0x3FD9]  }
0x89: {  	s3 =	sld [smem:$0x3FFE];
	_ =	sdelay $0x1  }
0x8a: {  	s1 =	srdreg.scid  }
0x8b: {  	s0 =	sand.u32 $0x1, s1  }
0x8c: {  	s16 =	sshll.u32 s0, $0xA;
	s2 =	sadd.s32 s3, s2  }
0x8d: {  	s2 =	sadd.s32 s2, s16  }
0x8e: {  	[smem:$0x3FC7] =	sst s2  }
0x8f: {  	_ = 	snop  }
0x90: {  	(tm) =	ssettm $0x1  }
0x91: {  	s17 =	sld [smem:$0x3FFB];
	_ =	sdelay $0x3  }
0x92: {  	_ =	strace s17  }
0x93: {  	s2 =	sld [smem:$0x3FFC];
	_ =	sdelay $0x3  }
0x94: {  	_ =	strace s2  }
0x95: {  	s2 =	sld [smem:$0x3FFD];
	_ =	sdelay $0x3  }
0x96: {  	_ =	strace s2  }
0x97: {  	_ =	strace $0x8FFFFFFF  }
0x98: {  	s18 =	sld [smem:$0x3FDB];
	_ =	sdelay $0x1  }
0x99: {  	s19 =	simm.s32 $_scs_section_size  }
0x9a: {  	s4 =	simm.s32 $_size__tile_overlayer_lowered;
	s5 =	simm.s32 $_tile_overlayer_lowered  }
0x9b: {  	s22 =	simm.s32 $0x1BFF;
	s21 =	sshll.u32 s5, $0x1;
	s2 =	sadd.s32 s19, s18  }
0x9c: {  	s6 =	simm.s32 $0x0;
	s20 =	sshll.u32 s4, $0x1;
	s4 =	sadd.s32 s21, s2  }
0x9d: {  	[timem:s6], [sflag:s22] =	dma.local [hbm:s4], s20  }
0x9e: {  	_ =	swait.ge [sflag:s22], s20  }
0x9f: {  	s3 =	ssub.s32 $0x0, s20;
	[sflag:s22] =	ssyncset.done $0x0  }
0xa0: {  	[sflag:s22] =	ssyncadd.s32 s3;
	_ =	sdelay $0x1  }
0xa1: {  	s23 =	simm.s32 $0x1B8B  }
0xa2: {  	_ =	swait.ge [sflag:s23], $0x1  }
0xa3: {  	[sflag:s23] =	ssyncset.done $0x0  }
0xa4: {  	s25 =	simm.s32 $0x1B8E;
	s24 =	sld [smem:$0x3FFE];
	[sflag:s23] =	ssyncadd.s32 $0xFFFFFFFF  }
0xa5: {  	s26 =	simm.s32 $execute0_lowered;
	[smem:$0x3FD2] =	sst s25  }
0xa6: {  	s4 =	sshll.u32 s26, $0x1;
	_ =	strace $0x80000046;
	[dreg:$0x1] =	wrdreg $0xFFFFFFFF  }
0xa7: {  	s28 =	simm.s32 $_size_execute0_lowered;
	s2 =	sadd.s32 s2, s4;
	[dreg:$0x0] =	wrdreg $0x0  }
0xa8: {  	s4 =	sshll.u32 s28, $0x1;
	[dreg:$0x2] =	wrdreg s2  }
0xa9: {  	[dreg:$0x3] =	wrdreg s4  }
0xaa: {  	[dreg:$0x4] =	wrdreg $0xC0  }
0xab: {  	_ =	task [dreg:s6], $0x5FFFF  }
0xac: {  	[dreg:$0x1] =	wrdreg $0xFFFFFFFF  }
0xad: {  	[dreg:$0x0] =	wrdreg $0x60  }
0xae: {  	[dreg:$0x2] =	wrdreg s24  }
0xaf: {  	[dreg:$0x3] =	wrdreg $0x9  }
0xb0: {  	_ =	task.clear_ibuf [dreg:s6], $0x4FFFF;
	_ =	strace $0x90000046  }
0xb1: {  	s29 =	simm.s32 $0x9;
	_ =	strace $0x80000048  }
0xb2: {  	_ =	swait.ge [sflag:s29], $0x1  }
0xb3: {  	[sflag:s29] =	ssyncadd.s32 $0xFFFFFFFF  }
0xb4: {  	_ =	strace $0x90000048  }
0xb5: {  	_ =	sfence  }
0xb6: {  	s30 =	sld [smem:$0x0];
	_ =	sdelay $0x2  }
0xb7: {  	s31 =	sshll.u32 s1, $0xD;
	s1 =	sshrl.u32 s1, $0x2  }
0xb8: {  	s3 =	sand.u32 $0x4000, s31;
	s1 =	sadd.s32 s1, s30  }
0xb9: {  	s0 =	sor.u32 s3, s0;
	s1 =	sshll.u32 s1, $0x11  }
0xba: {  	s0 =	sor.u32 s1, s0  }
0xbb: {  	s0 =	sadd.s32 $0x8F2B, s0  }
0xbc: {  	[sflag:s0] =	ssyncadd.remote.s32 $0x1  }
0xbd: {  	_ =	sfence.sel $0xFFFF  }
0xbe: {  	[dreg:$0x0] =	wrdreg $0xFFFFFFFF;
	(pc) =	sbr.abs _section_cstart, $3  }
0xbf: {  	[dreg:$0x1] =	wrdreg $0xFFFFFFFF  }
0xc0: {  	_ =	task.clear_ibuf [dreg:s6], $0x2FFFF;
	_ =	strace $0x9FFFFFFF  }
0xc1: {  	(tm) =	ssettm $0x7FFFFFFF  }
tec
execute0_lowered:
.L_overlay_start_1:
0x0: {  	(tag) =	ssettag $0x1  }
0x1: {  	s1 =	srdreg.scid  }
0x2: {  	s0 =	stileid.u32;
	s7 =	rddreg [dreg:$0x0]  }
0x3: {  	s2 =	simm.s32 $0x0;
	s3 =	sand.u32 $0x1, s1;
	s29 =	sshll.u32 s0, $0x1  }
0x4: {  	s30 =	sshrl.u32 s0, $0x2;
	s1 =	rddreg [dreg:$0x1];
	s4 =	sor.u32 s3, s29  }
0x5: {  	[smem:$0x7FF] =	sst s2;
	s5 =	smul.u32 $0x600000, s30;
	s6 =	sshll.u32 s4, $0x12  }
0x6: {  	_ =	strace $0x80000047;
	s9 =	ssub.s32 $0x2, s3;
	s6 =	sand.u32 $0x1C0000, s6  }
0x7: {  	s8 =	sshll.u32 s4, $0x4;
	s31 =	sshrl.u32 s9, $0x1;
	s5 =	sor.u32 s5, s6  }
0x8: {  	s4 =	simm.s32 $0x4000;
	s10 =	ssub.s32 s9, s31;
	s5 =	sshrl.u32 s5, $0x3  }
0x9: {  	s6 =	simm.s32 $0x1;
	s3 =	sadd.s32 s7, s5;
	s5 =	simm.s32 $0x200000  }
0xa: {  	[tilespmem:s2], [sflag:$0x1] =	stream.strided.gather [hbm4b:s3+s4], $0xC000, s5, s4, $0x38;
	[tilespmem:$0x18000] =	vst v63  }
0xb: {  	s9 =	simm.s32 $0x400;
	s11 =	smax.u32 s10, $0x1;
	_ =	swait.ge [sflag:s6], $0xC000  }
0xc: {  	p0 =	sne.s32 s11, $0x1;
	s7 =	sadd.s32 s8, s7;
	[sflag:s6] =	ssyncset.done $0x0  }
0xd: {  	s8 =	simm.s32 $0x80;
	s7 =	sadd.s32 $0x300000, s7;
	[sflag:s6] =	ssyncadd.s32 $0xFFFF4000  }
0xe: {  	[hbm4b:s7+s8] =	stream.strided.scatter [tilespmem:s2], [sflag:$0x2], $0x0, s9, s8, $0x38;
	[tilespmem:$0x18000] =	vst v63  }
.Ltmp0:
0xf: {  	_ = 	snop;
	(pc) =	sbr.rel @!p0 .LBB2_2-.Ltmp0, $4  }
0x10: {  	s10 =	simm.s32 $0x2  }
0x11: {  	[hbm4b:s7+s2] =	stream.linear.scatter [tilespmem:s2], [sflag:$0x2], $0x10, $0x38;
	[tilespmem:$0x18000] =	vst v63  }
0x12: {  	_ =	swait.ge [sflag:s10], $0x10  }
0x13: {  	s11 =	sadd.s32 $0xFFFFFFFF, s11;
	[sflag:s10] =	ssyncset.done $0x0  }
.LBB2_1:
0x14: {  	p0 =	sne.s32 s11, $0x1;
	s11 =	sadd.s32 $0xFFFFFFFF, s11;
	[sflag:s10] =	ssyncadd.s32 $0xFFFFFFF0  }
0x15: {  	_ = 	snop  }
0x16: {  	[tilespmem:s2], [sflag:$0x1] =	stream.strided.gather [hbm4b:s3+s4], $0xC000, s5, s4, $0x38;
	[tilespmem:$0x18000] =	vst v63  }
0x17: {  	_ =	swait.ge [sflag:s6], $0xC000  }
0x18: {  	[sflag:s6] =	ssyncset.done $0x0  }
0x19: {  	[sflag:s6] =	ssyncadd.s32 $0xFFFF4000  }
0x1a: {  	[hbm4b:s7+s8] =	stream.strided.scatter [tilespmem:s2], [sflag:$0x2], $0x0, s9, s8, $0x38;
	[tilespmem:$0x18000] =	vst v63  }
.Ltmp1:
0x1b: {  	_ = 	snop;
	(pc) =	sbr.rel @p0 .LBB2_1-.Ltmp1, $4  }
0x1c: {  	_ = 	snop  }
0x1d: {  	[hbm4b:s7+s2] =	stream.linear.scatter [tilespmem:s2], [sflag:$0x2], $0x10, $0x38;
	[tilespmem:$0x18000] =	vst v63  }
0x1e: {  	_ =	swait.ge [sflag:s10], $0x10  }
0x1f: {  	[sflag:s10] =	ssyncset.done $0x0  }
.LBB2_2:
0x20: {  	[sflag:s10] =	ssyncadd.s32 $0xFFFFFFF0  }
0x21: {  	_ =	sfence.sel $0x180000  }
0x22: {  	[bflag:$0x0] =	sbarrier.arrive $0xFFFF  }
0x23: {  	p0 =	sne.s32 s0, $0x0;
	_ =	strace $0x90000047  }
0x24: {  	s0 =	sadd.s32 @!p0 $0x100000, s1;
	[bflag:$0x2] =	sbarrier.arrive $0xFFFF  }
0x25: {  	[sflag:s0] =	ssyncadd.tile.s32 @!p0 $0x1;
	_ =	shalt  }
.Lfunc_end2:
_tile_overlayer_lowered:
.L_overlay_start_2:
0x26: {  	(tag) =	ssettag $0x2  }
0x27: {  	s0 =	rddreg [dreg:$0x0];
	s2 =	stileid.u32  }
0x28: {  	s1 =	rddreg [dreg:$0x1];
	p0 =	sne.s32 s2, $0x0  }
0x29: {  	s3 =	rddreg [dreg:$0x2];
	[bflag:$0x3] =	sbarrier.arrive $0xFFFF;
	s2 =	simm.s32 @!p0 $0x1C02  }
0x2a: {  	[timem:s3], [sflag:s2] =	dma.local @!p0 [hbm:s0], s1  }
0x2b: {  	s0 =	simm.s32 @!p0 $0x2  }
0x2c: {  	_ =	swait.ge @!p0 [sflag:s0], s1  }
0x2d: {  	s1 =	ssub.s32 @!p0 $0x0, s1;
	[sflag:s0] =	ssyncset.done @!p0 $0x0  }
0x2e: {  	[sflag:s0] =	ssyncadd.s32 @!p0 s1  }
0x2f: {  	[bflag:$0x3] =	sbarrier.arrive $0xFFFF  }
0x30: {  	_ =	shalt  }

</sc_bundles>
